<compile_context>
chip_gen: v7x
topology: tpu7x:2x2x1
jax: 0.10.2.dev20260603
libtpu: 0.0.44.dev20260713+nightly
codegen_flags: <defaults>
</compile_context>

<pallas_src>
import functools

import jax
import jax.numpy as jnp
from jax import lax
from jax.experimental import pallas as pl
from jax.experimental.pallas import tpu as pltpu
from jax.experimental.pallas import tpu_sc as plsc

_M = 4
_V = 100000
_D = 32
_B = 4096
_T = 20
_ROWS = _M * _B * _T
_NW = 32
_RPW = _ROWS // _NW
_CHUNK = 256
_CPR = 5
_RROWS = _CPR * _CHUNK
_NR = _RPW // _RROWS
_NBUF = 2
_LANES = 16


def _gather_body(idx_hbm, w_hbm, out_hbm, idx_v, buf0, buf1,
                 gsem0, gsem1, osem0, osem1):
    c = lax.axis_index("c")
    s = lax.axis_index("s")
    wid = s * 2 + c
    base = wid * _RPW
    pltpu.sync_copy(idx_hbm.at[pl.ds(base, _RPW)], idx_v)

    off = (base // (_B * _T)) * _V

    def add_off(i, carry):
        for u in range(4):
            sl = pl.ds((i * 4 + u) * _LANES, _LANES)
            idx_v[sl] = idx_v[sl] + off
        return carry

    lax.fori_loop(0, _RPW // (4 * _LANES), add_off, 0)

    def fire_gathers(r, buf, gsem):
        for j in range(_CPR):
            k = r * _RROWS + j * _CHUNK
            pltpu.async_copy(
                w_hbm.at[idx_v.at[pl.ds(k, _CHUNK)]],
                buf.at[pl.ds(j * _CHUNK, _CHUNK)], gsem)

    def drain(buf, sem):
        pltpu.make_async_copy(
            out_hbm.at[pl.ds(0, _RROWS)], buf, sem).wait()

    fire_gathers(0, buf0, gsem0)
    fire_gathers(1, buf1, gsem1)

    def body(i, carry):
        for half, buf, gsem, osem in (
                (0, buf0, gsem0, osem0), (1, buf1, gsem1, osem1)):
            r = i * _NBUF + half
            drain(buf, gsem)
            pltpu.async_copy(
                buf, out_hbm.at[pl.ds(base + r * _RROWS, _RROWS)], osem)
            drain(buf, osem)

            @pl.when(r < _NR - _NBUF)
            def _():
                fire_gathers(r + _NBUF, buf, gsem)
        return carry

    lax.fori_loop(0, _NR // _NBUF, body, 0)


@jax.jit
def _run(idx_t, w_flat):

    mesh = plsc.VectorSubcoreMesh(core_axis_name="c", subcore_axis_name="s")
    f = functools.partial(
        pl.kernel,
        mesh=mesh,
        out_type=jax.ShapeDtypeStruct((_ROWS, _D), jnp.float32),
        scratch_types=[
            pltpu.VMEM((_RPW,), jnp.int32),
            pltpu.VMEM((_RROWS, _D), jnp.float32),
            pltpu.VMEM((_RROWS, _D), jnp.float32),
            pltpu.SemaphoreType.DMA,
            pltpu.SemaphoreType.DMA,
            pltpu.SemaphoreType.DMA,
            pltpu.SemaphoreType.DMA,
        ],
        compiler_params=pltpu.CompilerParams(use_tc_tiling_on_sc=False),
    )(_gather_body)
    out = f(idx_t, w_flat)

    eye = jnp.eye(_D, dtype=jnp.float32)
    o5 = out.reshape(_M * _T, _B, _D)
    o_t = jnp.einsum('dc,pbc->pdb', eye, o5)
    return o_t


def kernel(idx, weight):
    idx_t = jnp.transpose(idx, (0, 2, 1)).reshape(_ROWS).astype(jnp.int32)
    w_flat = weight.reshape(_M * _V, _D)
    o_t = _run(idx_t, w_flat)
    o4 = o_t.reshape(_M, _T, _D, _B)
    return jnp.transpose(o4, (0, 3, 1, 2))

# --- scband reference (transcript-rebuilt; emitter-appended) ---
"""Pipeline reference for scband-model-embedding-48249662603762 (READ-ONLY COPY).

The authoritative reference and input builder live on the scoring server;
editing this copy changes nothing except your own understanding.
"""

import jax, jax.numpy as jnp
import numpy as np

NUM_MODELS = 4
NUM_EMBEDDINGS = 100000
EMBEDDING_DIM = 32


def setup_inputs(seed: int = 0) -> dict:
    key = jax.random.key(seed)
    k_idx, k_w = jax.random.split(key)
    idx = jax.random.randint(k_idx, (NUM_MODELS, 4096, 20), 0, NUM_EMBEDDINGS, dtype=jnp.int64 if jax.config.read('jax_enable_x64') else jnp.int32)
    weight = jax.random.normal(k_w, (NUM_MODELS, NUM_EMBEDDINGS, EMBEDDING_DIM), dtype=jnp.float32) * 0.02
    return {"idx": idx, "weight": weight}


def reference(idx, weight):
    # weight: [m, V, d]; idx: [m, b, t] -> out: [m, b, t, d]
    m = weight.shape[0]
    midx = jnp.arange(m).reshape(m, 1, 1)
    return weight[midx, idx]

if __name__ == "__main__":
    import jax
    _d = setup_inputs()
    print(jax.jit(kernel)(*tuple(_d.values())))

</pallas_src>

<mosaic_0001>
#map = affine_map<(d0, d1) -> (0)>
#map1 = affine_map<(d0, d1) -> (0, 0)>
module attributes {stable_mosaic.version = 14 : i64} {
  func.func @_gather_body(%arg0: i32, %arg1: i32, %arg2: memref<327680xi32, #tpu.memory_space<hbm>>, %arg3: memref<400000x32xf32, #tpu.memory_space<hbm>>, %arg4: memref<327680x32xf32, #tpu.memory_space<hbm>>, %arg5: memref<10240xi32, #tpu.memory_space<vmem>>, %arg6: memref<1280x32xf32, #tpu.memory_space<vmem>>, %arg7: memref<1280x32xf32, #tpu.memory_space<vmem>>, %arg8: memref<!tpu.dma_semaphore, #tpu.memory_space<semaphore_mem>>, %arg9: memref<!tpu.dma_semaphore, #tpu.memory_space<semaphore_mem>>, %arg10: memref<!tpu.dma_semaphore, #tpu.memory_space<semaphore_mem>>, %arg11: memref<!tpu.dma_semaphore, #tpu.memory_space<semaphore_mem>>) attributes {dimension_semantics = [#tpu.dimension_semantics<core_parallel>, #tpu.dimension_semantics<subcore_parallel>], iteration_bounds = array<i64: 2, 16>, scalar_prefetch = 0 : i64, scratch_operands = 7 : i64, tpu.core_type = #tpu.core_type<sc_vector_subcore>, window_params = [{transform_indices = #map}, {transform_indices = #map1}, {transform_indices = #map1}]} {
    %mul3A = arith.constant 2 : i32
    %mul3A_0 = arith.muli %arg1, %mul3A : i32
    %add3A = arith.addi %mul3A_0, %arg0 : i32
    %mul3A_1 = arith.constant 10240 : i32
    %mul3A_2 = arith.muli %add3A, %mul3A_1 : i32
    "tpu.region"() ({
      %run_scoped3A = tpu.sem_alloc : memref<!tpu.dma_semaphore, #tpu.memory_space<semaphore_mem>>
      %dma_start3A_111 = tpu.memref_slice %arg2[%mul3A_2] : memref<327680xi32, #tpu.memory_space<hbm>> -> memref<10240xi32, #tpu.memory_space<hbm>>
      %dma_start3A_112 = tpu.memref_slice %arg2[%mul3A_2] : memref<327680xi32, #tpu.memory_space<hbm>> -> memref<10240xi32, #tpu.memory_space<hbm>>
      tpu.enqueue_dma source(%dma_start3A_112 : memref<10240xi32, #tpu.memory_space<hbm>>) target(%arg5 : memref<10240xi32, #tpu.memory_space<vmem>>) target_semaphore(%run_scoped3A : memref<!tpu.dma_semaphore, #tpu.memory_space<semaphore_mem>>)
      %dma_wait3A = tpu.memref_slice %arg2[%mul3A_2] : memref<327680xi32, #tpu.memory_space<hbm>> -> memref<10240xi32, #tpu.memory_space<hbm>>
      %dma_wait3A_113 = tpu.memref_slice %arg2[%mul3A_2] : memref<327680xi32, #tpu.memory_space<hbm>> -> memref<10240xi32, #tpu.memory_space<hbm>>
      tpu.wait_dma2 semaphore(%run_scoped3A : memref<!tpu.dma_semaphore, #tpu.memory_space<semaphore_mem>>) src(%dma_wait3A_113 : memref<10240xi32, #tpu.memory_space<hbm>>) dst(%arg5 : memref<10240xi32, #tpu.memory_space<vmem>>)
      tpu.yield
    }) : () -> ()
    %jit3A = arith.constant 81920 : i32
    %div3A = arith.divsi %mul3A_2, %jit3A : i32
    %sign3A = arith.constant 0 : i32
    %sign3A_3 = arith.cmpi sgt, %mul3A_2, %sign3A : i32
    %sign3A_4 = arith.extui %sign3A_3 : i1 to i32
    %sign3A_5 = arith.constant 0 : i32
    %sign3A_6 = arith.cmpi slt, %mul3A_2, %sign3A_5 : i32
    %sign3A_7 = arith.extui %sign3A_6 : i1 to i32
    %sign3A_8 = arith.subi %sign3A_4, %sign3A_7 : i32
    %sign3A_9 = arith.constant 0 : i32
    %sign3A_10 = arith.cmpi sgt, %jit3A, %sign3A_9 : i32
    %sign3A_11 = arith.extui %sign3A_10 : i1 to i32
    %sign3A_12 = arith.constant 0 : i32
    %sign3A_13 = arith.cmpi slt, %jit3A, %sign3A_12 : i32
    %sign3A_14 = arith.extui %sign3A_13 : i1 to i32
    %sign3A_15 = arith.subi %sign3A_11, %sign3A_14 : i32
    %ne3A = arith.cmpi ne, %sign3A_8, %sign3A_15 : i32
    %rem3A = arith.remsi %mul3A_2, %jit3A : i32
    %ne3A_16 = arith.constant 0 : i32
    %ne3A_17 = arith.cmpi ne, %rem3A, %ne3A_16 : i32
    %and3A = arith.andi %ne3A, %ne3A_17 : i1
    %sub3A = arith.constant 1 : i32
    %sub3A_18 = arith.subi %div3A, %sub3A : i32
    %select_n3A = arith.select %and3A, %sub3A_18, %div3A : i32
    %mul3A_19 = arith.constant 100000 : i32
    %mul3A_20 = arith.muli %select_n3A, %mul3A_19 : i32
    %scan3A = arith.constant 0 : i32
    %scan3A_21 = arith.constant 0 : i32
    %scan3A_22 = arith.constant 160 : i32
    %scan3A_23 = arith.addi %scan3A_21, %scan3A_22 : i32
    %scan3A_24 = arith.constant 1 : i32
    scf.for %scan3A_111 = %scan3A_21 to %scan3A_23 step %scan3A_24  : i32 {
      %mul3A_112 = arith.constant 4 : i32
      %mul3A_113 = arith.muli %scan3A_111, %mul3A_112 : i32
      %add3A_114 = arith.constant 0 : i32
      %add3A_115 = arith.addi %mul3A_113, %add3A_114 : i32
      %mul3A_116 = arith.constant 16 : i32
      %mul3A_117 = arith.muli %add3A_115, %mul3A_116 : i32
      %get3A = arith.index_cast %mul3A_117 : i32 to index
      %get3A_118 = tpu.vector_load %arg5[%get3A] {strides = array<i32>} : memref<10240xi32, #tpu.memory_space<vmem>>, vector<16xi32>,
      %get3A_119 = vector.shape_cast %get3A_118 : vector<16xi32> to vector<16xi32>
      %add3A_120 = vector.broadcast %mul3A_20 : i32 to vector<16xi32>
      %add3A_121 = arith.addi %get3A_119, %add3A_120 : vector<16xi32>
      %swap3A = arith.index_cast %mul3A_117 : i32 to index
      %swap3A_122 = tpu.vector_load %arg5[%swap3A] {strides = array<i32>} : memref<10240xi32, #tpu.memory_space<vmem>>, vector<16xi32>,
      %swap3A_123 = vector.shape_cast %swap3A_122 : vector<16xi32> to vector<16xi32>
      %swap3A_124 = vector.shape_cast %add3A_121 : vector<16xi32> to vector<16xi32>
      tpu.vector_store %arg5[%swap3A], %swap3A_124 {strides = array<i32>} : memref<10240xi32, #tpu.memory_space<vmem>>, vector<16xi32>,
      %mul3A_125 = arith.constant 4 : i32
      %mul3A_126 = arith.muli %scan3A_111, %mul3A_125 : i32
      %add3A_127 = arith.constant 1 : i32
      %add3A_128 = arith.addi %mul3A_126, %add3A_127 : i32
      %mul3A_129 = arith.constant 16 : i32
      %mul3A_130 = arith.muli %add3A_128, %mul3A_129 : i32
      %get3A_131 = arith.index_cast %mul3A_130 : i32 to index
      %get3A_132 = tpu.vector_load %arg5[%get3A_131] {strides = array<i32>} : memref<10240xi32, #tpu.memory_space<vmem>>, vector<16xi32>,
      %get3A_133 = vector.shape_cast %get3A_132 : vector<16xi32> to vector<16xi32>
      %add3A_134 = vector.broadcast %mul3A_20 : i32 to vector<16xi32>
      %add3A_135 = arith.addi %get3A_133, %add3A_134 : vector<16xi32>
      %swap3A_136 = arith.index_cast %mul3A_130 : i32 to index
      %swap3A_137 = tpu.vector_load %arg5[%swap3A_136] {strides = array<i32>} : memref<10240xi32, #tpu.memory_space<vmem>>, vector<16xi32>,
      %swap3A_138 = vector.shape_cast %swap3A_137 : vector<16xi32> to vector<16xi32>
      %swap3A_139 = vector.shape_cast %add3A_135 : vector<16xi32> to vector<16xi32>
      tpu.vector_store %arg5[%swap3A_136], %swap3A_139 {strides = array<i32>} : memref<10240xi32, #tpu.memory_space<vmem>>, vector<16xi32>,
      %mul3A_140 = arith.constant 4 : i32
      %mul3A_141 = arith.muli %scan3A_111, %mul3A_140 : i32
      %add3A_142 = arith.constant 2 : i32
      %add3A_143 = arith.addi %mul3A_141, %add3A_142 : i32
      %mul3A_144 = arith.constant 16 : i32
      %mul3A_145 = arith.muli %add3A_143, %mul3A_144 : i32
      %get3A_146 = arith.index_cast %mul3A_145 : i32 to index
      %get3A_147 = tpu.vector_load %arg5[%get3A_146] {strides = array<i32>} : memref<10240xi32, #tpu.memory_space<vmem>>, vector<16xi32>,
      %get3A_148 = vector.shape_cast %get3A_147 : vector<16xi32> to vector<16xi32>
      %add3A_149 = vector.broadcast %mul3A_20 : i32 to vector<16xi32>
      %add3A_150 = arith.addi %get3A_148, %add3A_149 : vector<16xi32>
      %swap3A_151 = arith.index_cast %mul3A_145 : i32 to index
      %swap3A_152 = tpu.vector_load %arg5[%swap3A_151] {strides = array<i32>} : memref<10240xi32, #tpu.memory_space<vmem>>, vector<16xi32>,
      %swap3A_153 = vector.shape_cast %swap3A_152 : vector<16xi32> to vector<16xi32>
      %swap3A_154 = vector.shape_cast %add3A_150 : vector<16xi32> to vector<16xi32>
      tpu.vector_store %arg5[%swap3A_151], %swap3A_154 {strides = array<i32>} : memref<10240xi32, #tpu.memory_space<vmem>>, vector<16xi32>,
      %mul3A_155 = arith.constant 4 : i32
      %mul3A_156 = arith.muli %scan3A_111, %mul3A_155 : i32
      %add3A_157 = arith.constant 3 : i32
      %add3A_158 = arith.addi %mul3A_156, %add3A_157 : i32
      %mul3A_159 = arith.constant 16 : i32
      %mul3A_160 = arith.muli %add3A_158, %mul3A_159 : i32
      %get3A_161 = arith.index_cast %mul3A_160 : i32 to index
      %get3A_162 = tpu.vector_load %arg5[%get3A_161] {strides = array<i32>} : memref<10240xi32, #tpu.memory_space<vmem>>, vector<16xi32>,
      %get3A_163 = vector.shape_cast %get3A_162 : vector<16xi32> to vector<16xi32>
      %add3A_164 = vector.broadcast %mul3A_20 : i32 to vector<16xi32>
      %add3A_165 = arith.addi %get3A_163, %add3A_164 : vector<16xi32>
      %swap3A_166 = arith.index_cast %mul3A_160 : i32 to index
      %swap3A_167 = tpu.vector_load %arg5[%swap3A_166] {strides = array<i32>} : memref<10240xi32, #tpu.memory_space<vmem>>, vector<16xi32>,
      %swap3A_168 = vector.shape_cast %swap3A_167 : vector<16xi32> to vector<16xi32>
      %swap3A_169 = vector.shape_cast %add3A_165 : vector<16xi32> to vector<16xi32>
      tpu.vector_store %arg5[%swap3A_166], %swap3A_169 {strides = array<i32>} : memref<10240xi32, #tpu.memory_space<vmem>>, vector<16xi32>,
    }
    %scan3A_25 = arith.constant 160 : i32
    %dma_start3A = arith.constant 0 : i32
    %dma_start3A_26 = arith.constant 0 : i32
    %dma_start3A_27 = tpu.memref_slice %arg6[%dma_start3A, %dma_start3A_26] : memref<1280x32xf32, #tpu.memory_space<vmem>> -> memref<256x32xf32, #tpu.memory_space<vmem>>
    %dma_start3A_28 = arith.constant 0 : i32
    %dma_start3A_29 = tpu.memref_slice %arg5[%dma_start3A_28] : memref<10240xi32, #tpu.memory_space<vmem>> -> memref<256xi32, #tpu.memory_space<vmem>>
    %dma_start3A_30 = arith.constant 0 : i32
    %dma_start3A_31 = arith.constant 0 : i32
    %dma_start3A_32 = tpu.memref_slice %arg3[%dma_start3A_30, %dma_start3A_31] : memref<400000x32xf32, #tpu.memory_space<hbm>> -> memref<400000x32xf32, #tpu.memory_space<hbm>>
    tpu.enqueue_indirect_dma source(%dma_start3A_32 : memref<400000x32xf32, #tpu.memory_space<hbm>>) target(%dma_start3A_27 : memref<256x32xf32, #tpu.memory_space<vmem>>) offsets(%dma_start3A_29 : memref<256xi32, #tpu.memory_space<vmem>>) semaphore(%arg8 : memref<!tpu.dma_semaphore, #tpu.memory_space<semaphore_mem>>)
    %dma_start3A_33 = arith.constant 256 : i32
    %dma_start3A_34 = arith.constant 0 : i32
    %dma_start3A_35 = tpu.memref_slice %arg6[%dma_start3A_33, %dma_start3A_34] : memref<1280x32xf32, #tpu.memory_space<vmem>> -> memref<256x32xf32, #tpu.memory_space<vmem>>
    %dma_start3A_36 = arith.constant 256 : i32
    %dma_start3A_37 = tpu.memref_slice %arg5[%dma_start3A_36] : memref<10240xi32, #tpu.memory_space<vmem>> -> memref<256xi32, #tpu.memory_space<vmem>>
    %dma_start3A_38 = arith.constant 0 : i32
    %dma_start3A_39 = arith.constant 0 : i32
    %dma_start3A_40 = tpu.memref_slice %arg3[%dma_start3A_38, %dma_start3A_39] : memref<400000x32xf32, #tpu.memory_space<hbm>> -> memref<400000x32xf32, #tpu.memory_space<hbm>>
    tpu.enqueue_indirect_dma source(%dma_start3A_40 : memref<400000x32xf32, #tpu.memory_space<hbm>>) target(%dma_start3A_35 : memref<256x32xf32, #tpu.memory_space<vmem>>) offsets(%dma_start3A_37 : memref<256xi32, #tpu.memory_space<vmem>>) semaphore(%arg8 : memref<!tpu.dma_semaphore, #tpu.memory_space<semaphore_mem>>)
    %dma_start3A_41 = arith.constant 512 : i32
    %dma_start3A_42 = arith.constant 0 : i32
    %dma_start3A_43 = tpu.memref_slice %arg6[%dma_start3A_41, %dma_start3A_42] : memref<1280x32xf32, #tpu.memory_space<vmem>> -> memref<256x32xf32, #tpu.memory_space<vmem>>
    %dma_start3A_44 = arith.constant 512 : i32
    %dma_start3A_45 = tpu.memref_slice %arg5[%dma_start3A_44] : memref<10240xi32, #tpu.memory_space<vmem>> -> memref<256xi32, #tpu.memory_space<vmem>>
    %dma_start3A_46 = arith.constant 0 : i32
    %dma_start3A_47 = arith.constant 0 : i32
    %dma_start3A_48 = tpu.memref_slice %arg3[%dma_start3A_46, %dma_start3A_47] : memref<400000x32xf32, #tpu.memory_space<hbm>> -> memref<400000x32xf32, #tpu.memory_space<hbm>>
    tpu.enqueue_indirect_dma source(%dma_start3A_48 : memref<400000x32xf32, #tpu.memory_space<hbm>>) target(%dma_start3A_43 : memref<256x32xf32, #tpu.memory_space<vmem>>) offsets(%dma_start3A_45 : memref<256xi32, #tpu.memory_space<vmem>>) semaphore(%arg8 : memref<!tpu.dma_semaphore, #tpu.memory_space<semaphore_mem>>)
    %dma_start3A_49 = arith.constant 768 : i32
    %dma_start3A_50 = arith.constant 0 : i32
    %dma_start3A_51 = tpu.memref_slice %arg6[%dma_start3A_49, %dma_start3A_50] : memref<1280x32xf32, #tpu.memory_space<vmem>> -> memref<256x32xf32, #tpu.memory_space<vmem>>
    %dma_start3A_52 = arith.constant 768 : i32
    %dma_start3A_53 = tpu.memref_slice %arg5[%dma_start3A_52] : memref<10240xi32, #tpu.memory_space<vmem>> -> memref<256xi32, #tpu.memory_space<vmem>>
    %dma_start3A_54 = arith.constant 0 : i32
    %dma_start3A_55 = arith.constant 0 : i32
    %dma_start3A_56 = tpu.memref_slice %arg3[%dma_start3A_54, %dma_start3A_55] : memref<400000x32xf32, #tpu.memory_space<hbm>> -> memref<400000x32xf32, #tpu.memory_space<hbm>>
    tpu.enqueue_indirect_dma source(%dma_start3A_56 : memref<400000x32xf32, #tpu.memory_space<hbm>>) target(%dma_start3A_51 : memref<256x32xf32, #tpu.memory_space<vmem>>) offsets(%dma_start3A_53 : memref<256xi32, #tpu.memory_space<vmem>>) semaphore(%arg8 : memref<!tpu.dma_semaphore, #tpu.memory_space<semaphore_mem>>)
    %dma_start3A_57 = arith.constant 1024 : i32
    %dma_start3A_58 = arith.constant 0 : i32
    %dma_start3A_59 = tpu.memref_slice %arg6[%dma_start3A_57, %dma_start3A_58] : memref<1280x32xf32, #tpu.memory_space<vmem>> -> memref<256x32xf32, #tpu.memory_space<vmem>>
    %dma_start3A_60 = arith.constant 1024 : i32
    %dma_start3A_61 = tpu.memref_slice %arg5[%dma_start3A_60] : memref<10240xi32, #tpu.memory_space<vmem>> -> memref<256xi32, #tpu.memory_space<vmem>>
    %dma_start3A_62 = arith.constant 0 : i32
    %dma_start3A_63 = arith.constant 0 : i32
    %dma_start3A_64 = tpu.memref_slice %arg3[%dma_start3A_62, %dma_start3A_63] : memref<400000x32xf32, #tpu.memory_space<hbm>> -> memref<400000x32xf32, #tpu.memory_space<hbm>>
    tpu.enqueue_indirect_dma source(%dma_start3A_64 : memref<400000x32xf32, #tpu.memory_space<hbm>>) target(%dma_start3A_59 : memref<256x32xf32, #tpu.memory_space<vmem>>) offsets(%dma_start3A_61 : memref<256xi32, #tpu.memory_space<vmem>>) semaphore(%arg8 : memref<!tpu.dma_semaphore, #tpu.memory_space<semaphore_mem>>)
    %dma_start3A_65 = arith.constant 0 : i32
    %dma_start3A_66 = arith.constant 0 : i32
    %dma_start3A_67 = tpu.memref_slice %arg7[%dma_start3A_65, %dma_start3A_66] : memref<1280x32xf32, #tpu.memory_space<vmem>> -> memref<256x32xf32, #tpu.memory_space<vmem>>
    %dma_start3A_68 = arith.constant 1280 : i32
    %dma_start3A_69 = tpu.memref_slice %arg5[%dma_start3A_68] : memref<10240xi32, #tpu.memory_space<vmem>> -> memref<256xi32, #tpu.memory_space<vmem>>
    %dma_start3A_70 = arith.constant 0 : i32
    %dma_start3A_71 = arith.constant 0 : i32
    %dma_start3A_72 = tpu.memref_slice %arg3[%dma_start3A_70, %dma_start3A_71] : memref<400000x32xf32, #tpu.memory_space<hbm>> -> memref<400000x32xf32, #tpu.memory_space<hbm>>
    tpu.enqueue_indirect_dma source(%dma_start3A_72 : memref<400000x32xf32, #tpu.memory_space<hbm>>) target(%dma_start3A_67 : memref<256x32xf32, #tpu.memory_space<vmem>>) offsets(%dma_start3A_69 : memref<256xi32, #tpu.memory_space<vmem>>) semaphore(%arg9 : memref<!tpu.dma_semaphore, #tpu.memory_space<semaphore_mem>>)
    %dma_start3A_73 = arith.constant 256 : i32
    %dma_start3A_74 = arith.constant 0 : i32
    %dma_start3A_75 = tpu.memref_slice %arg7[%dma_start3A_73, %dma_start3A_74] : memref<1280x32xf32, #tpu.memory_space<vmem>> -> memref<256x32xf32, #tpu.memory_space<vmem>>
    %dma_start3A_76 = arith.constant 1536 : i32
    %dma_start3A_77 = tpu.memref_slice %arg5[%dma_start3A_76] : memref<10240xi32, #tpu.memory_space<vmem>> -> memref<256xi32, #tpu.memory_space<vmem>>
    %dma_start3A_78 = arith.constant 0 : i32
    %dma_start3A_79 = arith.constant 0 : i32
    %dma_start3A_80 = tpu.memref_slice %arg3[%dma_start3A_78, %dma_start3A_79] : memref<400000x32xf32, #tpu.memory_space<hbm>> -> memref<400000x32xf32, #tpu.memory_space<hbm>>
    tpu.enqueue_indirect_dma source(%dma_start3A_80 : memref<400000x32xf32, #tpu.memory_space<hbm>>) target(%dma_start3A_75 : memref<256x32xf32, #tpu.memory_space<vmem>>) offsets(%dma_start3A_77 : memref<256xi32, #tpu.memory_space<vmem>>) semaphore(%arg9 : memref<!tpu.dma_semaphore, #tpu.memory_space<semaphore_mem>>)
    %dma_start3A_81 = arith.constant 512 : i32
    %dma_start3A_82 = arith.constant 0 : i32
    %dma_start3A_83 = tpu.memref_slice %arg7[%dma_start3A_81, %dma_start3A_82] : memref<1280x32xf32, #tpu.memory_space<vmem>> -> memref<256x32xf32, #tpu.memory_space<vmem>>
    %dma_start3A_84 = arith.constant 1792 : i32
    %dma_start3A_85 = tpu.memref_slice %arg5[%dma_start3A_84] : memref<10240xi32, #tpu.memory_space<vmem>> -> memref<256xi32, #tpu.memory_space<vmem>>
    %dma_start3A_86 = arith.constant 0 : i32
    %dma_start3A_87 = arith.constant 0 : i32
    %dma_start3A_88 = tpu.memref_slice %arg3[%dma_start3A_86, %dma_start3A_87] : memref<400000x32xf32, #tpu.memory_space<hbm>> -> memref<400000x32xf32, #tpu.memory_space<hbm>>
    tpu.enqueue_indirect_dma source(%dma_start3A_88 : memref<400000x32xf32, #tpu.memory_space<hbm>>) target(%dma_start3A_83 : memref<256x32xf32, #tpu.memory_space<vmem>>) offsets(%dma_start3A_85 : memref<256xi32, #tpu.memory_space<vmem>>) semaphore(%arg9 : memref<!tpu.dma_semaphore, #tpu.memory_space<semaphore_mem>>)
    %dma_start3A_89 = arith.constant 768 : i32
    %dma_start3A_90 = arith.constant 0 : i32
    %dma_start3A_91 = tpu.memref_slice %arg7[%dma_start3A_89, %dma_start3A_90] : memref<1280x32xf32, #tpu.memory_space<vmem>> -> memref<256x32xf32, #tpu.memory_space<vmem>>
    %dma_start3A_92 = arith.constant 2048 : i32
    %dma_start3A_93 = tpu.memref_slice %arg5[%dma_start3A_92] : memref<10240xi32, #tpu.memory_space<vmem>> -> memref<256xi32, #tpu.memory_space<vmem>>
    %dma_start3A_94 = arith.constant 0 : i32
    %dma_start3A_95 = arith.constant 0 : i32
    %dma_start3A_96 = tpu.memref_slice %arg3[%dma_start3A_94, %dma_start3A_95] : memref<400000x32xf32, #tpu.memory_space<hbm>> -> memref<400000x32xf32, #tpu.memory_space<hbm>>
    tpu.enqueue_indirect_dma source(%dma_start3A_96 : memref<400000x32xf32, #tpu.memory_space<hbm>>) target(%dma_start3A_91 : memref<256x32xf32, #tpu.memory_space<vmem>>) offsets(%dma_start3A_93 : memref<256xi32, #tpu.memory_space<vmem>>) semaphore(%arg9 : memref<!tpu.dma_semaphore, #tpu.memory_space<semaphore_mem>>)
    %dma_start3A_97 = arith.constant 1024 : i32
    %dma_start3A_98 = arith.constant 0 : i32
    %dma_start3A_99 = tpu.memref_slice %arg7[%dma_start3A_97, %dma_start3A_98] : memref<1280x32xf32, #tpu.memory_space<vmem>> -> memref<256x32xf32, #tpu.memory_space<vmem>>
    %dma_start3A_100 = arith.constant 2304 : i32
    %dma_start3A_101 = tpu.memref_slice %arg5[%dma_start3A_100] : memref<10240xi32, #tpu.memory_space<vmem>> -> memref<256xi32, #tpu.memory_space<vmem>>
    %dma_start3A_102 = arith.constant 0 : i32
    %dma_start3A_103 = arith.constant 0 : i32
    %dma_start3A_104 = tpu.memref_slice %arg3[%dma_start3A_102, %dma_start3A_103] : memref<400000x32xf32, #tpu.memory_space<hbm>> -> memref<400000x32xf32, #tpu.memory_space<hbm>>
    tpu.enqueue_indirect_dma source(%dma_start3A_104 : memref<400000x32xf32, #tpu.memory_space<hbm>>) target(%dma_start3A_99 : memref<256x32xf32, #tpu.memory_space<vmem>>) offsets(%dma_start3A_101 : memref<256xi32, #tpu.memory_space<vmem>>) semaphore(%arg9 : memref<!tpu.dma_semaphore, #tpu.memory_space<semaphore_mem>>)
    %scan3A_105 = arith.constant 0 : i32
    %scan3A_106 = arith.constant 0 : i32
    %scan3A_107 = arith.constant 4 : i32
    %scan3A_108 = arith.addi %scan3A_106, %scan3A_107 : i32
    %scan3A_109 = arith.constant 1 : i32
    scf.for %scan3A_111 = %scan3A_106 to %scan3A_108 step %scan3A_109  : i32 {
      %mul3A_112 = arith.constant 2 : i32
      %mul3A_113 = arith.muli %scan3A_111, %mul3A_112 : i32
      %add3A_114 = arith.constant 0 : i32
      %add3A_115 = arith.addi %mul3A_113, %add3A_114 : i32
      %dma_wait3A = arith.constant 0 : i32
      %dma_wait3A_116 = arith.constant 0 : i32
      %dma_wait3A_117 = tpu.memref_slice %arg4[%dma_wait3A, %dma_wait3A_116] : memref<327680x32xf32, #tpu.memory_space<hbm>> -> memref<1280x32xf32, #tpu.memory_space<hbm>>
      %dma_wait3A_118 = arith.constant 0 : i32
      %dma_wait3A_119 = arith.constant 0 : i32
      %dma_wait3A_120 = tpu.memref_slice %arg4[%dma_wait3A_118, %dma_wait3A_119] : memref<327680x32xf32, #tpu.memory_space<hbm>> -> memref<1280x32xf32, #tpu.memory_space<hbm>>
      tpu.wait_dma2 semaphore(%arg8 : memref<!tpu.dma_semaphore, #tpu.memory_space<semaphore_mem>>) src(%dma_wait3A_120 : memref<1280x32xf32, #tpu.memory_space<hbm>>) dst(%arg6 : memref<1280x32xf32, #tpu.memory_space<vmem>>)
      %mul3A_121 = arith.constant 1280 : i32
      %mul3A_122 = arith.muli %add3A_115, %mul3A_121 : i32
      %add3A_123 = arith.addi %mul3A_2, %mul3A_122 : i32
      %dma_start3A_124 = arith.constant 0 : i32
      %dma_start3A_125 = tpu.memref_slice %arg4[%add3A_123, %dma_start3A_124] : memref<327680x32xf32, #tpu.memory_space<hbm>> -> memref<1280x32xf32, #tpu.memory_space<hbm>>
      %dma_start3A_126 = arith.constant 0 : i32
      %dma_start3A_127 = tpu.memref_slice %arg4[%add3A_123, %dma_start3A_126] : memref<327680x32xf32, #tpu.memory_space<hbm>> -> memref<1280x32xf32, #tpu.memory_space<hbm>>
      tpu.enqueue_dma source(%arg6 : memref<1280x32xf32, #tpu.memory_space<vmem>>) target(%dma_start3A_127 : memref<1280x32xf32, #tpu.memory_space<hbm>>) target_semaphore(%arg10 : memref<!tpu.dma_semaphore, #tpu.memory_space<semaphore_mem>>)
      %dma_wait3A_128 = arith.constant 0 : i32
      %dma_wait3A_129 = arith.constant 0 : i32
      %dma_wait3A_130 = tpu.memref_slice %arg4[%dma_wait3A_128, %dma_wait3A_129] : memref<327680x32xf32, #tpu.memory_space<hbm>> -> memref<1280x32xf32, #tpu.memory_space<hbm>>
      %dma_wait3A_131 = arith.constant 0 : i32
      %dma_wait3A_132 = arith.constant 0 : i32
      %dma_wait3A_133 = tpu.memref_slice %arg4[%dma_wait3A_131, %dma_wait3A_132] : memref<327680x32xf32, #tpu.memory_space<hbm>> -> memref<1280x32xf32, #tpu.memory_space<hbm>>
      tpu.wait_dma2 semaphore(%arg10 : memref<!tpu.dma_semaphore, #tpu.memory_space<semaphore_mem>>) src(%dma_wait3A_133 : memref<1280x32xf32, #tpu.memory_space<hbm>>) dst(%arg6 : memref<1280x32xf32, #tpu.memory_space<vmem>>)
      %lt3A = arith.constant 6 : i32
      %lt3A_134 = arith.cmpi slt, %add3A_115, %lt3A : i32
      %convert_element_type3A = arith.extui %lt3A_134 : i1 to i32
      %cond3A = arith.constant 0 : i32
      %cond3A_135 = arith.cmpi ne, %convert_element_type3A, %cond3A : i32
      scf.if %cond3A_135 {
        %add3A_164 = arith.constant 2 : i32
        %add3A_165 = arith.addi %add3A_115, %add3A_164 : i32
        %mul3A_166 = arith.constant 1280 : i32
        %mul3A_167 = arith.muli %add3A_165, %mul3A_166 : i32
        %add3A_168 = arith.constant 0 : i32
        %add3A_169 = arith.addi %mul3A_167, %add3A_168 : i32
        %dma_start3A_170 = arith.constant 0 : i32
        %dma_start3A_171 = arith.constant 0 : i32
        %dma_start3A_172 = tpu.memref_slice %arg6[%dma_start3A_170, %dma_start3A_171] : memref<1280x32xf32, #tpu.memory_space<vmem>> -> memref<256x32xf32, #tpu.memory_space<vmem>>
        %dma_start3A_173 = tpu.memref_slice %arg5[%add3A_169] : memref<10240xi32, #tpu.memory_space<vmem>> -> memref<256xi32, #tpu.memory_space<vmem>>
        %dma_start3A_174 = arith.constant 0 : i32
        %dma_start3A_175 = arith.constant 0 : i32
        %dma_start3A_176 = tpu.memref_slice %arg3[%dma_start3A_174, %dma_start3A_175] : memref<400000x32xf32, #tpu.memory_space<hbm>> -> memref<400000x32xf32, #tpu.memory_space<hbm>>
        tpu.enqueue_indirect_dma source(%dma_start3A_176 : memref<400000x32xf32, #tpu.memory_space<hbm>>) target(%dma_start3A_172 : memref<256x32xf32, #tpu.memory_space<vmem>>) offsets(%dma_start3A_173 : memref<256xi32, #tpu.memory_space<vmem>>) semaphore(%arg8 : memref<!tpu.dma_semaphore, #tpu.memory_space<semaphore_mem>>)
        %mul3A_177 = arith.constant 1280 : i32
        %mul3A_178 = arith.muli %add3A_165, %mul3A_177 : i32
        %add3A_179 = arith.constant 256 : i32
        %add3A_180 = arith.addi %mul3A_178, %add3A_179 : i32
        %dma_start3A_181 = arith.constant 256 : i32
        %dma_start3A_182 = arith.constant 0 : i32
        %dma_start3A_183 = tpu.memref_slice %arg6[%dma_start3A_181, %dma_start3A_182] : memref<1280x32xf32, #tpu.memory_space<vmem>> -> memref<256x32xf32, #tpu.memory_space<vmem>>
        %dma_start3A_184 = tpu.memref_slice %arg5[%add3A_180] : memref<10240xi32, #tpu.memory_space<vmem>> -> memref<256xi32, #tpu.memory_space<vmem>>
        %dma_start3A_185 = arith.constant 0 : i32
        %dma_start3A_186 = arith.constant 0 : i32
        %dma_start3A_187 = tpu.memref_slice %arg3[%dma_start3A_185, %dma_start3A_186] : memref<400000x32xf32, #tpu.memory_space<hbm>> -> memref<400000x32xf32, #tpu.memory_space<hbm>>
        tpu.enqueue_indirect_dma source(%dma_start3A_187 : memref<400000x32xf32, #tpu.memory_space<hbm>>) target(%dma_start3A_183 : memref<256x32xf32, #tpu.memory_space<vmem>>) offsets(%dma_start3A_184 : memref<256xi32, #tpu.memory_space<vmem>>) semaphore(%arg8 : memref<!tpu.dma_semaphore, #tpu.memory_space<semaphore_mem>>)
        %mul3A_188 = arith.constant 1280 : i32
        %mul3A_189 = arith.muli %add3A_165, %mul3A_188 : i32
        %add3A_190 = arith.constant 512 : i32
        %add3A_191 = arith.addi %mul3A_189, %add3A_190 : i32
        %dma_start3A_192 = arith.constant 512 : i32
        %dma_start3A_193 = arith.constant 0 : i32
        %dma_start3A_194 = tpu.memref_slice %arg6[%dma_start3A_192, %dma_start3A_193] : memref<1280x32xf32, #tpu.memory_space<vmem>> -> memref<256x32xf32, #tpu.memory_space<vmem>>
        %dma_start3A_195 = tpu.memref_slice %arg5[%add3A_191] : memref<10240xi32, #tpu.memory_space<vmem>> -> memref<256xi32, #tpu.memory_space<vmem>>
        %dma_start3A_196 = arith.constant 0 : i32
        %dma_start3A_197 = arith.constant 0 : i32
        %dma_start3A_198 = tpu.memref_slice %arg3[%dma_start3A_196, %dma_start3A_197] : memref<400000x32xf32, #tpu.memory_space<hbm>> -> memref<400000x32xf32, #tpu.memory_space<hbm>>
        tpu.enqueue_indirect_dma source(%dma_start3A_198 : memref<400000x32xf32, #tpu.memory_space<hbm>>) target(%dma_start3A_194 : memref<256x32xf32, #tpu.memory_space<vmem>>) offsets(%dma_start3A_195 : memref<256xi32, #tpu.memory_space<vmem>>) semaphore(%arg8 : memref<!tpu.dma_semaphore, #tpu.memory_space<semaphore_mem>>)
        %mul3A_199 = arith.constant 1280 : i32
        %mul3A_200 = arith.muli %add3A_165, %mul3A_199 : i32
        %add3A_201 = arith.constant 768 : i32
        %add3A_202 = arith.addi %mul3A_200, %add3A_201 : i32
        %dma_start3A_203 = arith.constant 768 : i32
        %dma_start3A_204 = arith.constant 0 : i32
        %dma_start3A_205 = tpu.memref_slice %arg6[%dma_start3A_203, %dma_start3A_204] : memref<1280x32xf32, #tpu.memory_space<vmem>> -> memref<256x32xf32, #tpu.memory_space<vmem>>
        %dma_start3A_206 = tpu.memref_slice %arg5[%add3A_202] : memref<10240xi32, #tpu.memory_space<vmem>> -> memref<256xi32, #tpu.memory_space<vmem>>
        %dma_start3A_207 = arith.constant 0 : i32
        %dma_start3A_208 = arith.constant 0 : i32
        %dma_start3A_209 = tpu.memref_slice %arg3[%dma_start3A_207, %dma_start3A_208] : memref<400000x32xf32, #tpu.memory_space<hbm>> -> memref<400000x32xf32, #tpu.memory_space<hbm>>
        tpu.enqueue_indirect_dma source(%dma_start3A_209 : memref<400000x32xf32, #tpu.memory_space<hbm>>) target(%dma_start3A_205 : memref<256x32xf32, #tpu.memory_space<vmem>>) offsets(%dma_start3A_206 : memref<256xi32, #tpu.memory_space<vmem>>) semaphore(%arg8 : memref<!tpu.dma_semaphore, #tpu.memory_space<semaphore_mem>>)
        %mul3A_210 = arith.constant 1280 : i32
        %mul3A_211 = arith.muli %add3A_165, %mul3A_210 : i32
        %add3A_212 = arith.constant 1024 : i32
        %add3A_213 = arith.addi %mul3A_211, %add3A_212 : i32
        %dma_start3A_214 = arith.constant 1024 : i32
        %dma_start3A_215 = arith.constant 0 : i32
        %dma_start3A_216 = tpu.memref_slice %arg6[%dma_start3A_214, %dma_start3A_215] : memref<1280x32xf32, #tpu.memory_space<vmem>> -> memref<256x32xf32, #tpu.memory_space<vmem>>
        %dma_start3A_217 = tpu.memref_slice %arg5[%add3A_213] : memref<10240xi32, #tpu.memory_space<vmem>> -> memref<256xi32, #tpu.memory_space<vmem>>
        %dma_start3A_218 = arith.constant 0 : i32
        %dma_start3A_219 = arith.constant 0 : i32
        %dma_start3A_220 = tpu.memref_slice %arg3[%dma_start3A_218, %dma_start3A_219] : memref<400000x32xf32, #tpu.memory_space<hbm>> -> memref<400000x32xf32, #tpu.memory_space<hbm>>
        tpu.enqueue_indirect_dma source(%dma_start3A_220 : memref<400000x32xf32, #tpu.memory_space<hbm>>) target(%dma_start3A_216 : memref<256x32xf32, #tpu.memory_space<vmem>>) offsets(%dma_start3A_217 : memref<256xi32, #tpu.memory_space<vmem>>) semaphore(%arg8 : memref<!tpu.dma_semaphore, #tpu.memory_space<semaphore_mem>>)
      } else {
      }
      %mul3A_136 = arith.constant 2 : i32
      %mul3A_137 = arith.muli %scan3A_111, %mul3A_136 : i32
      %add3A_138 = arith.constant 1 : i32
      %add3A_139 = arith.addi %mul3A_137, %add3A_138 : i32
      %dma_wait3A_140 = arith.constant 0 : i32
      %dma_wait3A_141 = arith.constant 0 : i32
      %dma_wait3A_142 = tpu.memref_slice %arg4[%dma_wait3A_140, %dma_wait3A_141] : memref<327680x32xf32, #tpu.memory_space<hbm>> -> memref<1280x32xf32, #tpu.memory_space<hbm>>
      %dma_wait3A_143 = arith.constant 0 : i32
      %dma_wait3A_144 = arith.constant 0 : i32
      %dma_wait3A_145 = tpu.memref_slice %arg4[%dma_wait3A_143, %dma_wait3A_144] : memref<327680x32xf32, #tpu.memory_space<hbm>> -> memref<1280x32xf32, #tpu.memory_space<hbm>>
      tpu.wait_dma2 semaphore(%arg9 : memref<!tpu.dma_semaphore, #tpu.memory_space<semaphore_mem>>) src(%dma_wait3A_145 : memref<1280x32xf32, #tpu.memory_space<hbm>>) dst(%arg7 : memref<1280x32xf32, #tpu.memory_space<vmem>>)
      %mul3A_146 = arith.constant 1280 : i32
      %mul3A_147 = arith.muli %add3A_139, %mul3A_146 : i32
      %add3A_148 = arith.addi %mul3A_2, %mul3A_147 : i32
      %dma_start3A_149 = arith.constant 0 : i32
      %dma_start3A_150 = tpu.memref_slice %arg4[%add3A_148, %dma_start3A_149] : memref<327680x32xf32, #tpu.memory_space<hbm>> -> memref<1280x32xf32, #tpu.memory_space<hbm>>
      %dma_start3A_151 = arith.constant 0 : i32
      %dma_start3A_152 = tpu.memref_slice %arg4[%add3A_148, %dma_start3A_151] : memref<327680x32xf32, #tpu.memory_space<hbm>> -> memref<1280x32xf32, #tpu.memory_space<hbm>>
      tpu.enqueue_dma source(%arg7 : memref<1280x32xf32, #tpu.memory_space<vmem>>) target(%dma_start3A_152 : memref<1280x32xf32, #tpu.memory_space<hbm>>) target_semaphore(%arg11 : memref<!tpu.dma_semaphore, #tpu.memory_space<semaphore_mem>>)
      %dma_wait3A_153 = arith.constant 0 : i32
      %dma_wait3A_154 = arith.constant 0 : i32
      %dma_wait3A_155 = tpu.memref_slice %arg4[%dma_wait3A_153, %dma_wait3A_154] : memref<327680x32xf32, #tpu.memory_space<hbm>> -> memref<1280x32xf32, #tpu.memory_space<hbm>>
      %dma_wait3A_156 = arith.constant 0 : i32
      %dma_wait3A_157 = arith.constant 0 : i32
      %dma_wait3A_158 = tpu.memref_slice %arg4[%dma_wait3A_156, %dma_wait3A_157] : memref<327680x32xf32, #tpu.memory_space<hbm>> -> memref<1280x32xf32, #tpu.memory_space<hbm>>
      tpu.wait_dma2 semaphore(%arg11 : memref<!tpu.dma_semaphore, #tpu.memory_space<semaphore_mem>>) src(%dma_wait3A_158 : memref<1280x32xf32, #tpu.memory_space<hbm>>) dst(%arg7 : memref<1280x32xf32, #tpu.memory_space<vmem>>)
      %lt3A_159 = arith.constant 6 : i32
      %lt3A_160 = arith.cmpi slt, %add3A_139, %lt3A_159 : i32
      %convert_element_type3A_161 = arith.extui %lt3A_160 : i1 to i32
      %cond3A_162 = arith.constant 0 : i32
      %cond3A_163 = arith.cmpi ne, %convert_element_type3A_161, %cond3A_162 : i32
      scf.if %cond3A_163 {
        %add3A_164 = arith.constant 2 : i32
        %add3A_165 = arith.addi %add3A_139, %add3A_164 : i32
        %mul3A_166 = arith.constant 1280 : i32
        %mul3A_167 = arith.muli %add3A_165, %mul3A_166 : i32
        %add3A_168 = arith.constant 0 : i32
        %add3A_169 = arith.addi %mul3A_167, %add3A_168 : i32
        %dma_start3A_170 = arith.constant 0 : i32
        %dma_start3A_171 = arith.constant 0 : i32
        %dma_start3A_172 = tpu.memref_slice %arg7[%dma_start3A_170, %dma_start3A_171] : memref<1280x32xf32, #tpu.memory_space<vmem>> -> memref<256x32xf32, #tpu.memory_space<vmem>>
        %dma_start3A_173 = tpu.memref_slice %arg5[%add3A_169] : memref<10240xi32, #tpu.memory_space<vmem>> -> memref<256xi32, #tpu.memory_space<vmem>>
        %dma_start3A_174 = arith.constant 0 : i32
        %dma_start3A_175 = arith.constant 0 : i32
        %dma_start3A_176 = tpu.memref_slice %arg3[%dma_start3A_174, %dma_start3A_175] : memref<400000x32xf32, #tpu.memory_space<hbm>> -> memref<400000x32xf32, #tpu.memory_space<hbm>>
        tpu.enqueue_indirect_dma source(%dma_start3A_176 : memref<400000x32xf32, #tpu.memory_space<hbm>>) target(%dma_start3A_172 : memref<256x32xf32, #tpu.memory_space<vmem>>) offsets(%dma_start3A_173 : memref<256xi32, #tpu.memory_space<vmem>>) semaphore(%arg9 : memref<!tpu.dma_semaphore, #tpu.memory_space<semaphore_mem>>)
        %mul3A_177 = arith.constant 1280 : i32
        %mul3A_178 = arith.muli %add3A_165, %mul3A_177 : i32
        %add3A_179 = arith.constant 256 : i32
        %add3A_180 = arith.addi %mul3A_178, %add3A_179 : i32
        %dma_start3A_181 = arith.constant 256 : i32
        %dma_start3A_182 = arith.constant 0 : i32
        %dma_start3A_183 = tpu.memref_slice %arg7[%dma_start3A_181, %dma_start3A_182] : memref<1280x32xf32, #tpu.memory_space<vmem>> -> memref<256x32xf32, #tpu.memory_space<vmem>>
        %dma_start3A_184 = tpu.memref_slice %arg5[%add3A_180] : memref<10240xi32, #tpu.memory_space<vmem>> -> memref<256xi32, #tpu.memory_space<vmem>>
        %dma_start3A_185 = arith.constant 0 : i32
        %dma_start3A_186 = arith.constant 0 : i32
        %dma_start3A_187 = tpu.memref_slice %arg3[%dma_start3A_185, %dma_start3A_186] : memref<400000x32xf32, #tpu.memory_space<hbm>> -> memref<400000x32xf32, #tpu.memory_space<hbm>>
        tpu.enqueue_indirect_dma source(%dma_start3A_187 : memref<400000x32xf32, #tpu.memory_space<hbm>>) target(%dma_start3A_183 : memref<256x32xf32, #tpu.memory_space<vmem>>) offsets(%dma_start3A_184 : memref<256xi32, #tpu.memory_space<vmem>>) semaphore(%arg9 : memref<!tpu.dma_semaphore, #tpu.memory_space<semaphore_mem>>)
        %mul3A_188 = arith.constant 1280 : i32
        %mul3A_189 = arith.muli %add3A_165, %mul3A_188 : i32
        %add3A_190 = arith.constant 512 : i32
        %add3A_191 = arith.addi %mul3A_189, %add3A_190 : i32
        %dma_start3A_192 = arith.constant 512 : i32
        %dma_start3A_193 = arith.constant 0 : i32
        %dma_start3A_194 = tpu.memref_slice %arg7[%dma_start3A_192, %dma_start3A_193] : memref<1280x32xf32, #tpu.memory_space<vmem>> -> memref<256x32xf32, #tpu.memory_space<vmem>>
        %dma_start3A_195 = tpu.memref_slice %arg5[%add3A_191] : memref<10240xi32, #tpu.memory_space<vmem>> -> memref<256xi32, #tpu.memory_space<vmem>>
        %dma_start3A_196 = arith.constant 0 : i32
        %dma_start3A_197 = arith.constant 0 : i32
        %dma_start3A_198 = tpu.memref_slice %arg3[%dma_start3A_196, %dma_start3A_197] : memref<400000x32xf32, #tpu.memory_space<hbm>> -> memref<400000x32xf32, #tpu.memory_space<hbm>>
        tpu.enqueue_indirect_dma source(%dma_start3A_198 : memref<400000x32xf32, #tpu.memory_space<hbm>>) target(%dma_start3A_194 : memref<256x32xf32, #tpu.memory_space<vmem>>) offsets(%dma_start3A_195 : memref<256xi32, #tpu.memory_space<vmem>>) semaphore(%arg9 : memref<!tpu.dma_semaphore, #tpu.memory_space<semaphore_mem>>)
        %mul3A_199 = arith.constant 1280 : i32
        %mul3A_200 = arith.muli %add3A_165, %mul3A_199 : i32
        %add3A_201 = arith.constant 768 : i32
        %add3A_202 = arith.addi %mul3A_200, %add3A_201 : i32
        %dma_start3A_203 = arith.constant 768 : i32
        %dma_start3A_204 = arith.constant 0 : i32
        %dma_start3A_205 = tpu.memref_slice %arg7[%dma_start3A_203, %dma_start3A_204] : memref<1280x32xf32, #tpu.memory_space<vmem>> -> memref<256x32xf32, #tpu.memory_space<vmem>>
        %dma_start3A_206 = tpu.memref_slice %arg5[%add3A_202] : memref<10240xi32, #tpu.memory_space<vmem>> -> memref<256xi32, #tpu.memory_space<vmem>>
        %dma_start3A_207 = arith.constant 0 : i32
        %dma_start3A_208 = arith.constant 0 : i32
        %dma_start3A_209 = tpu.memref_slice %arg3[%dma_start3A_207, %dma_start3A_208] : memref<400000x32xf32, #tpu.memory_space<hbm>> -> memref<400000x32xf32, #tpu.memory_space<hbm>>
        tpu.enqueue_indirect_dma source(%dma_start3A_209 : memref<400000x32xf32, #tpu.memory_space<hbm>>) target(%dma_start3A_205 : memref<256x32xf32, #tpu.memory_space<vmem>>) offsets(%dma_start3A_206 : memref<256xi32, #tpu.memory_space<vmem>>) semaphore(%arg9 : memref<!tpu.dma_semaphore, #tpu.memory_space<semaphore_mem>>)
        %mul3A_210 = arith.constant 1280 : i32
        %mul3A_211 = arith.muli %add3A_165, %mul3A_210 : i32
        %add3A_212 = arith.constant 1024 : i32
        %add3A_213 = arith.addi %mul3A_211, %add3A_212 : i32
        %dma_start3A_214 = arith.constant 1024 : i32
        %dma_start3A_215 = arith.constant 0 : i32
        %dma_start3A_216 = tpu.memref_slice %arg7[%dma_start3A_214, %dma_start3A_215] : memref<1280x32xf32, #tpu.memory_space<vmem>> -> memref<256x32xf32, #tpu.memory_space<vmem>>
        %dma_start3A_217 = tpu.memref_slice %arg5[%add3A_213] : memref<10240xi32, #tpu.memory_space<vmem>> -> memref<256xi32, #tpu.memory_space<vmem>>
        %dma_start3A_218 = arith.constant 0 : i32
        %dma_start3A_219 = arith.constant 0 : i32
        %dma_start3A_220 = tpu.memref_slice %arg3[%dma_start3A_218, %dma_start3A_219] : memref<400000x32xf32, #tpu.memory_space<hbm>> -> memref<400000x32xf32, #tpu.memory_space<hbm>>
        tpu.enqueue_indirect_dma source(%dma_start3A_220 : memref<400000x32xf32, #tpu.memory_space<hbm>>) target(%dma_start3A_216 : memref<256x32xf32, #tpu.memory_space<vmem>>) offsets(%dma_start3A_217 : memref<256xi32, #tpu.memory_space<vmem>>) semaphore(%arg9 : memref<!tpu.dma_semaphore, #tpu.memory_space<semaphore_mem>>)
      } else {
      }
    }
    %scan3A_110 = arith.constant 4 : i32
    return
  }
}

</mosaic_0001>

<sc_bundles>
// kernel: _run.3.cloned.1.call-start
scs
__scs_entry_jumppad:
0x0: {  	(pc) =	sbr.rel $0x88, $3  }
0x1: {  	(tag) =	ssettag $0x0;
	lr =	simm.s32 $0x1  }
0x2: {  	[smem:$0x3F9F] =	sst lr;
	_ =	strace $0xD0000000  }
0x3: {  	_ = 	snop  }
0x4: {  	_ = 	snop  }
0x5: {  	_ = 	snop  }
0x6: {  	_ = 	snop  }
0x7: {  	_ = 	snop  }
__scs_overlays_trampoline_lowered:
0x8: {  	[smem:$0x3FAE] =	sst s0  }
0x9: {  	[smem:$0x3FAF] =	sst s1  }
0xa: {  	[smem:$0x3FB0] =	sst s2  }
0xb: {  	[smem:$0x3FB1] =	sst s3  }
0xc: {  	[smem:$0x3FB2] =	sst s4  }
0xd: {  	[smem:$0x3FB3] =	sst s5  }
0xe: {  	[smem:$0x3FB4] =	sst s6  }
0xf: {  	[smem:$0x3FB5] =	sst s7  }
0x10: {  	[smem:$0x3FB6] =	sst s8  }
0x11: {  	[smem:$0x3FB7] =	sst s9;
	s0 =	simm.s32 @!p0 $0x0  }
0x12: {  	s1 =	sld [smem:$0x3F9D];
	s0 =	simm.s32 @p0 $0x1  }
0x13: {  	[smem:$0x3FB8] =	sst s0;
	s0 =	simm.s32 @!p1 $0x0  }
0x14: {  	s2 =	sld [smem:$0x3F9C];
	s0 =	simm.s32 @p1 $0x1  }
0x15: {  	[smem:$0x3FB9] =	sst s0;
	s0 =	simm.s32 @!p2 $0x0  }
0x16: {  	s3 =	sld [smem:$0x3FDB];
	s0 =	simm.s32 @p2 $0x1  }
0x17: {  	s4 =	simm.s32 $0x1BF5;
	[smem:$0x3FBB] =	sst s0  }
0x18: {  	s0 =	sld [smem:$0x3F9E];
	_ =	swait.ge [sflag:s4], $0x0  }
0x19: {  	s7 =	sld [smem:$0x3F9F]  }
0x1a: {  	s8 =	sadd.s32 $0xFFFFE003, lr  }
0x1b: {  	s9 =	sadd.s32 $0xFFFFFEF7, lr;
	s5 =	simm.s32 $0xFFFFFFFF;
	p2 =	slt.u32 s8, $0xFFFFF086  }
0x1c: {  	p1 =	slt.u32 s9, $0xF7A;
	s5 =	simm.s32 @!p2 $0x0  }
0x1d: {  	s5 =	simm.s32 @p1 $0x1;
	p0 =	seq.s32 s7, s2  }
0x1e: {  	s7 =	smul.u32 @!p0 $0xF7A, s2;
	p2 =	seq.s32 @!p0 s5, $0x0  }
0x1f: {  	s9 =	smul.u32 $0xF7A, s1;
	s8 =	simm.s32 @!p0 $0x1BF5;
	p2 =	por !p2, p0  }
0x20: {  	[sflag:s8] =	ssyncset.s32 @!p0 $0xFFFFF086;
	s6 =	sadd.s32 @!p0 s3, s7;
	s7 =	simm.s32 @!p0 $0x108  }
0x21: {  	s3 =	sadd.s32 s3, s9;
	s6 =	sadd.s32 @!p0 $0x88, s6;
	s7 =	simm.s32 @p2 $0x1082  }
0x22: {  	[simem:s7], [sflag:s8] =	dma.local @!p0 [hbm:s6], $0xF7A  }
0x23: {  	s9 =	sor.u32 $0xD0000000, s2;
	s6 =	simm.s32 $0x108;
	_ =	swait.ge @!p0 [sflag:s8], $0x0  }
0x24: {  	s3 =	sadd.s32 $0x88, s3;
	s6 =	simm.s32 @!p1 $0x1082;
	[sflag:s4] =	ssyncset.s32 $0xFFFFF086  }
0x25: {  	[simem:s6], [sflag:s4] =	dma.local [hbm:s3], $0xF7A  }
0x26: {  	[smem:$0x3F9F] =	sst s1;
	(tag) =	ssettag s2;
	_ =	strace s9  }
0x27: {  	s1 =	sld [smem:$0x3FAF]  }
0x28: {  	s2 =	sld [smem:$0x3FB0]  }
0x29: {  	s4 =	sld [smem:$0x3FB2]  }
0x2a: {  	p0 =	seq.s32 s5, $0x0;
	s5 =	sld [smem:$0x3FB3]  }
0x2b: {  	s6 =	sld [smem:$0x3FB4]  }
0x2c: {  	s7 =	sld [smem:$0x3FB5]  }
0x2d: {  	s3 =	simm.s32 $0x108;
	s8 =	sld [smem:$0x3FB6]  }
0x2e: {  	s3 =	simm.s32 @!p0 $0x1082;
	s9 =	sld [smem:$0x3FB7]  }
0x2f: {  	lr =	sadd.s32 s0, s3;
	s0 =	sld [smem:$0x3FAE]  }
0x30: {  	s3 =	sld [smem:$0x3FB1]  }
0x31: {  	[smem:$0x3FBA] =	sst s10  }
0x32: {  	s10 =	sld [smem:$0x3FB8];
	_ =	sdelay $0x3  }
0x33: {  	p0 =	seq.s32 s10, $0x1;
	s10 =	sld [smem:$0x3FBA];
	_ =	sdelay $0x3  }
0x34: {  	[smem:$0x3FBA] =	sst s10  }
0x35: {  	s10 =	sld [smem:$0x3FB9];
	_ =	sdelay $0x3  }
0x36: {  	p1 =	seq.s32 s10, $0x1;
	s10 =	sld [smem:$0x3FBA];
	_ =	sdelay $0x3  }
0x37: {  	[smem:$0x3FBA] =	sst s10  }
0x38: {  	s10 =	sld [smem:$0x3FBB]  }
0x39: {  	_ = 	snop;
	(pc) =	sbr.ind lr, $3  }
0x3a: {  	_ = 	snop  }
0x3b: {  	_ = 	snop  }
0x3c: {  	p2 =	seq.s32 s10, $0x1;
	s10 =	sld [smem:$0x3FBA]  }
0x3d: {  	_ =	shalt  }
0x3e: {  	_ =	shalt  }
0x3f: {  	_ =	shalt  }
0x40: {  	_ =	shalt  }
0x41: {  	_ =	shalt  }
0x42: {  	_ =	shalt  }
0x43: {  	_ =	shalt  }
0x44: {  	_ =	shalt  }
0x45: {  	_ =	shalt  }
0x46: {  	_ =	shalt  }
0x47: {  	_ =	shalt  }
0x48: {  	_ =	shalt  }
0x49: {  	_ =	shalt  }
0x4a: {  	_ =	shalt  }
0x4b: {  	_ =	shalt  }
0x4c: {  	_ =	shalt  }
0x4d: {  	_ =	shalt  }
0x4e: {  	_ =	shalt  }
0x4f: {  	_ =	shalt  }
0x50: {  	_ =	shalt  }
0x51: {  	_ =	shalt  }
0x52: {  	_ =	shalt  }
0x53: {  	_ =	shalt  }
0x54: {  	_ =	shalt  }
0x55: {  	_ =	shalt  }
0x56: {  	_ =	shalt  }
0x57: {  	_ =	shalt  }
0x58: {  	_ =	shalt  }
0x59: {  	_ =	shalt  }
0x5a: {  	_ =	shalt  }
0x5b: {  	_ =	shalt  }
0x5c: {  	_ =	shalt  }
0x5d: {  	_ =	shalt  }
0x5e: {  	_ =	shalt  }
0x5f: {  	_ =	shalt  }
0x60: {  	_ =	shalt  }
0x61: {  	_ =	shalt  }
0x62: {  	_ =	shalt  }
0x63: {  	_ =	shalt  }
0x64: {  	_ =	shalt  }
0x65: {  	_ =	shalt  }
0x66: {  	_ =	shalt  }
0x67: {  	_ =	shalt  }
0x68: {  	_ =	shalt  }
0x69: {  	_ =	shalt  }
0x6a: {  	_ =	shalt  }
0x6b: {  	_ =	shalt  }
0x6c: {  	_ =	shalt  }
0x6d: {  	_ =	shalt  }
0x6e: {  	_ =	shalt  }
0x6f: {  	_ =	shalt  }
0x70: {  	_ =	shalt  }
0x71: {  	_ =	shalt  }
0x72: {  	_ =	shalt  }
0x73: {  	_ =	shalt  }
0x74: {  	_ =	shalt  }
0x75: {  	_ =	shalt  }
0x76: {  	_ =	shalt  }
0x77: {  	_ =	shalt  }
0x78: {  	_ =	shalt  }
0x79: {  	_ =	shalt  }
0x7a: {  	_ =	shalt  }
0x7b: {  	_ =	shalt  }
0x7c: {  	_ =	shalt  }
0x7d: {  	_ =	shalt  }
0x7e: {  	_ =	shalt  }
0x7f: {  	_ =	shalt  }
0x80: {  	_ =	shalt  }
0x81: {  	_ =	shalt  }
0x82: {  	_ =	shalt  }
0x83: {  	_ =	shalt  }
0x84: {  	_ =	shalt  }
0x85: {  	_ =	shalt  }
0x86: {  	_ =	shalt  }
0x87: {  	_ =	shalt  }
.Lfunc_end0:
.L_simem_size_0:
called_computation_lowered:
.L_overlay_start_0:
0x88: {  	s2 =	sld [smem:$0x3FD9]  }
0x89: {  	s3 =	sld [smem:$0x3FFE];
	_ =	sdelay $0x1  }
0x8a: {  	s1 =	srdreg.scid  }
0x8b: {  	s0 =	sand.u32 $0x1, s1  }
0x8c: {  	s17 =	sshll.u32 s0, $0xA;
	s2 =	sadd.s32 s3, s2  }
0x8d: {  	s2 =	sadd.s32 s2, s17  }
0x8e: {  	[smem:$0x3FC6] =	sst s2  }
0x8f: {  	_ = 	snop  }
0x90: {  	s2 =	sld [smem:$0x3FC9]  }
0x91: {  	s18 =	sld [smem:$0x3FD0];
	(tm) =	ssettm $0x1  }
0x92: {  	s4 =	sld [smem:$0x3FFB];
	_ =	sdelay $0x3  }
0x93: {  	_ =	strace s4  }
0x94: {  	s4 =	sld [smem:$0x3FFC];
	_ =	sdelay $0x3  }
0x95: {  	_ =	strace s4  }
0x96: {  	s4 =	sld [smem:$0x3FFD];
	_ =	sdelay $0x3  }
0x97: {  	_ =	strace s4  }
0x98: {  	_ =	strace $0x8FFFFFFF  }
0x99: {  	s19 =	sld [smem:$0x3FDB];
	_ =	sdelay $0x1  }
0x9a: {  	s5 =	simm.s32 $_scs_section_size  }
0x9b: {  	s6 =	simm.s32 $_size__tile_overlayer_lowered;
	s7 =	simm.s32 $_tile_overlayer_lowered  }
0x9c: {  	s22 =	simm.s32 $0x1BFF;
	s21 =	sshll.u32 s7, $0x1;
	s4 =	sadd.s32 s5, s19  }
0x9d: {  	s8 =	simm.s32 $0x0;
	s20 =	sshll.u32 s6, $0x1;
	s6 =	sadd.s32 s21, s4  }
0x9e: {  	[timem:s8], [sflag:s22] =	dma.local [hbm:s6], s20  }
0x9f: {  	_ =	swait.ge [sflag:s22], s20  }
0xa0: {  	s5 =	ssub.s32 $0x0, s20;
	[sflag:s22] =	ssyncset.done $0x0  }
0xa1: {  	[sflag:s22] =	ssyncadd.s32 s5;
	_ =	sdelay $0x1  }
0xa2: {  	s23 =	simm.s32 $0x1B8B  }
0xa3: {  	_ =	swait.ge [sflag:s23], $0x1  }
0xa4: {  	[sflag:s23] =	ssyncset.done $0x0  }
0xa5: {  	s25 =	simm.s32 $0x1B8E;
	s24 =	sld [smem:$0x3FFE];
	[sflag:s23] =	ssyncadd.s32 $0xFFFFFFFF  }
0xa6: {  	s26 =	simm.s32 $execute0_lowered;
	[smem:$0x3FD2] =	sst s25  }
0xa7: {  	s6 =	sshll.u32 s26, $0x1;
	_ =	strace $0x80000046;
	[dreg:$0x1] =	wrdreg $0xFFFFFFFF  }
0xa8: {  	s28 =	simm.s32 $_size_execute0_lowered;
	s4 =	sadd.s32 s4, s6;
	[dreg:$0x0] =	wrdreg $0x0  }
0xa9: {  	s6 =	sshll.u32 s28, $0x1;
	[dreg:$0x2] =	wrdreg s4  }
0xaa: {  	[dreg:$0x3] =	wrdreg s6  }
0xab: {  	[dreg:$0x4] =	wrdreg $0xC0  }
0xac: {  	_ =	task [dreg:s8], $0x5FFFF  }
0xad: {  	[dreg:$0x1] =	wrdreg $0xFFFFFFFF  }
0xae: {  	[dreg:$0x0] =	wrdreg $0x60  }
0xaf: {  	[dreg:$0x2] =	wrdreg s2  }
0xb0: {  	[dreg:$0x3] =	wrdreg s24  }
0xb1: {  	[dreg:$0x4] =	wrdreg s18  }
0xb2: {  	[dreg:$0x5] =	wrdreg $0x9  }
0xb3: {  	_ =	task.clear_ibuf [dreg:s8], $0x6FFFF;
	_ =	strace $0x90000046  }
0xb4: {  	s29 =	simm.s32 $0x9;
	_ =	strace $0x80000048  }
0xb5: {  	_ =	swait.ge [sflag:s29], $0x1  }
0xb6: {  	[sflag:s29] =	ssyncadd.s32 $0xFFFFFFFF  }
0xb7: {  	_ =	strace $0x90000048  }
0xb8: {  	_ =	sfence  }
0xb9: {  	s30 =	sld [smem:$0x0];
	_ =	sdelay $0x2  }
0xba: {  	s31 =	sshll.u32 s1, $0xD;
	s1 =	sshrl.u32 s1, $0x2  }
0xbb: {  	s3 =	sand.u32 $0x4000, s31;
	s1 =	sadd.s32 s1, s30  }
0xbc: {  	s0 =	sor.u32 s3, s0;
	s1 =	sshll.u32 s1, $0x11  }
0xbd: {  	s0 =	sor.u32 s1, s0  }
0xbe: {  	s0 =	sadd.s32 $0x8F2B, s0  }
0xbf: {  	[sflag:s0] =	ssyncadd.remote.s32 $0x1  }
0xc0: {  	_ =	sfence.sel $0xFFFF  }
0xc1: {  	[dreg:$0x0] =	wrdreg $0xFFFFFFFF;
	(pc) =	sbr.abs _section_cstart, $3  }
0xc2: {  	[dreg:$0x1] =	wrdreg $0xFFFFFFFF  }
0xc3: {  	_ =	task.clear_ibuf [dreg:s8], $0x2FFFF;
	_ =	strace $0x9FFFFFFF  }
0xc4: {  	(tm) =	ssettm $0x7FFFFFFF  }
0xc5: {  	_ =	shalt  }
tec
execute0_lowered:
.L_overlay_start_1:
0x0: {  	(tag) =	ssettag $0x1  }
0x1: {  	s0 =	rddreg [dreg:$0x0]  }
0x2: {  	s1 =	rddreg [dreg:$0x1];
	s2 =	srdreg.scid  }
0x3: {  	s10 =	stileid.u32;
	s5 =	rddreg [dreg:$0x2]  }
0x4: {  	s14 =	simm.s32 $0x5;
	s15 =	simm.s32 $0x100;
	s16 =	simm.s32 $0x2800  }
0x5: {  	s17 =	simm.s32 $0x4800;
	s19 =	simm.s32 $0x6800;
	s21 =	simm.s32 $0x8800  }
0x6: {  	s23 =	simm.s32 $0xA800;
	s28 =	simm.s32 $0xE800;
	s30 =	simm.s32 $0x10800  }
0x7: {  	s18 =	simm.s32 $0x14800;
	s20 =	simm.s32 $0x1;
	s22 =	simm.s32 $0x3  }
0x8: {  	s24 =	simm.s32 $0x2;
	s31 =	simm.s32 $0x0;
	s3 =	sand.u32 $0x1, s2  }
0x9: {  	s4 =	sshll.u32 s10, $0x1;
	s2 =	simm.s32 $0x0;
	s26 =	sshrl.u32 s10, $0x2  }
0xa: {  	s4 =	sor.u32 s3, s4;
	[smem:$0x7FF] =	sst s2;
	s29 =	smul.u32 $0x186A0, s26  }
0xb: {  	s6 =	ssub.s32 $0x2, s3;
	s3 =	sadd.s32 $0x61AC00, s1;
	s7 =	smul.u32 $0x500, s4  }
0xc: {  	s1 =	simm.s32 $0x12800;
	s8 =	sshrl.u32 s6, $0x1;
	s9 =	smul.u32 $0xA000, s4  }
0xd: {  	s26 =	simm.s32 $0x4;
	_ =	strace $0x80000047;
	s25 =	ssub.s32 s6, s8  }
0xe: {  	s0 =	sadd.s32 s0, s7;
	s5 =	sadd.s32 s5, s9;
	s6 =	smax.u32 s25, $0x1  }
0xf: {  	s25 =	simm.s32 $0xC800;
	[dreg:$0x4] =	wrdreg s0;
	s7 =	sadd.s32 $0x1400, s5  }
0x10: {  	s8 =	sadd.s32 $0x2800, s5;
	s9 =	sadd.s32 $0x3C00, s5;
	s10 =	sadd.s32 $0x5000, s5  }
0x11: {  	v0 =	vmov s29;
	s11 =	sadd.s32 $0x6400, s5;
	s12 =	sadd.s32 $0x7800, s5;
	s13 =	sadd.s32 $0x8C00, s5  }
.LBB2_1:
0x12: {  	s0 =	rddreg [dreg:$0x4]  }
0x13: {  	[tilespmem:s2], [sflag:$0x5] =	stream.linear.gather [hbm4b:s0+s2], $0x2800, $0x38;
	[tilespmem:$0x16800] =	vst v63  }
0x14: {  	_ =	swait.ge [sflag:s14], $0x2800  }
0x15: {  	[sflag:s14] =	ssyncset.done $0x0  }
0x16: {  	s0 =	simm.s32 $0x0;
	[sflag:s14] =	ssyncadd.s32 $0xFFFFD800  }
0x17: {  	v3 =	vld [tilespmem:s0+$0x0]  }
0x18: {  	v2 =	vld [tilespmem:s0+$0x10]  }
0x19: {  	s29 =	simm.s32 $0x100;
	v1 =	vld [tilespmem:s0+$0x20]  }
.LBB2_2:
0x1a: {  	p0 =	sne.s32 s29, $0x9F00;
	v4 =	vld [tilespmem:s0+$0x30];
	_ =	sdelay $0x1  }
.Ltmp0:
0x1b: {  	v3 =	vadd.s32 v0, v3;
	(pc) =	sbr.rel @p0 .LBB2_2-.Ltmp0, $4  }
0x1c: {  	s4 =	sshra.s32 s29, $0x2;
	[tilespmem:s0+$0x0] =	vst v3;
	v2 =	vadd.s32 v0, v2  }
0x1d: {  	v3 =	vld [tilespmem:s4+$0x0];
	[tilespmem:s0+$0x10] =	vst v2;
	v1 =	vadd.s32 v0, v1  }
0x1e: {  	v2 =	vld [tilespmem:s4+$0x10];
	[tilespmem:s0+$0x20] =	vst v1;
	v4 =	vadd.s32 v0, v4  }
0x1f: {  	s29 =	sadd.s32 $0x100, s29;
	v1 =	vld [tilespmem:s4+$0x20];
	[tilespmem:s0+$0x30] =	vst v4;
	s0 =	smov.u32 s4  }
0x20: {  	v4 =	vld [tilespmem:s0+$0x30];
	_ =	sdelay $0x1  }
0x21: {  	v3 =	vadd.s32 v0, v3  }
0x22: {  	[tilespmem:s0+$0x0] =	vst v3;
	v2 =	vadd.s32 v0, v2  }
0x23: {  	[tilespmem:s0+$0x10] =	vst v2;
	v1 =	vadd.s32 v0, v1  }
0x24: {  	[tilespmem:s0+$0x20] =	vst v1;
	v1 =	vadd.s32 v0, v4  }
0x25: {  	[tilespmem:s0+$0x30] =	vst v1  }
0x26: {  	[tilespmem:s16], [sflag:$0x1] =	stream.indirect.gather [hbm4b:s3+s15], $0x20, s2, s15, $0xb8;
	[tilespmem:$0x16800] =	vst v63  }
0x27: {  	_ = 	snop  }
0x28: {  	[tilespmem:s17], [sflag:$0x1] =	stream.indirect.gather [hbm4b:s3+s15], $0x20, s15, s15, $0xb8;
	[tilespmem:$0x16800] =	vst v63  }
0x29: {  	s4 =	simm.s32 $0x200  }
0x2a: {  	[tilespmem:s19], [sflag:$0x1] =	stream.indirect.gather [hbm4b:s3+s15], $0x20, s4, s15, $0xb8;
	[tilespmem:$0x16800] =	vst v63  }
0x2b: {  	s29 =	simm.s32 $0x300  }
0x2c: {  	[tilespmem:s21], [sflag:$0x1] =	stream.indirect.gather [hbm4b:s3+s15], $0x20, s29, s15, $0xb8;
	[tilespmem:$0x16800] =	vst v63  }
0x2d: {  	s4 =	simm.s32 $0x400  }
0x2e: {  	[tilespmem:s23], [sflag:$0x1] =	stream.indirect.gather [hbm4b:s3+s15], $0x20, s4, s15, $0xb8;
	[tilespmem:$0x16800] =	vst v63  }
0x2f: {  	s29 =	simm.s32 $0x500  }
0x30: {  	[tilespmem:s25], [sflag:$0x2] =	stream.indirect.gather [hbm4b:s3+s15], $0x20, s29, s15, $0xb8;
	[tilespmem:$0x16800] =	vst v63  }
0x31: {  	s4 =	simm.s32 $0x600  }
0x32: {  	[tilespmem:s28], [sflag:$0x2] =	stream.indirect.gather [hbm4b:s3+s15], $0x20, s4, s15, $0xb8;
	[tilespmem:$0x16800] =	vst v63  }
0x33: {  	s29 =	simm.s32 $0x700  }
0x34: {  	[tilespmem:s30], [sflag:$0x2] =	stream.indirect.gather [hbm4b:s3+s15], $0x20, s29, s15, $0xb8;
	[tilespmem:$0x16800] =	vst v63  }
0x35: {  	s4 =	simm.s32 $0x800  }
0x36: {  	[tilespmem:s1], [sflag:$0x2] =	stream.indirect.gather [hbm4b:s3+s15], $0x20, s4, s15, $0xb8;
	[tilespmem:$0x16800] =	vst v63  }
0x37: {  	s29 =	simm.s32 $0x900  }
0x38: {  	[tilespmem:s18], [sflag:$0x2] =	stream.indirect.gather [hbm4b:s3+s15], $0x20, s29, s15, $0xb8;
	[tilespmem:$0x16800] =	vst v63  }
0x39: {  	_ =	swait.ge [sflag:s20], $0xA000  }
0x3a: {  	[sflag:s20] =	ssyncset.done $0x0  }
0x3b: {  	[sflag:s20] =	ssyncadd.s32 $0xFFFF6000  }
0x3c: {  	[hbm4b:s5+s2] =	stream.linear.scatter [tilespmem:s16], [sflag:$0x3], $0xA000, $0x38;
	[tilespmem:$0x16800] =	vst v63  }
0x3d: {  	_ =	swait.ge [sflag:s22], $0xA000  }
0x3e: {  	[sflag:s22] =	ssyncset.done $0x0  }
0x3f: {  	s4 =	simm.s32 $0xA00;
	[sflag:s22] =	ssyncadd.s32 $0xFFFF6000  }
0x40: {  	[tilespmem:s16], [sflag:$0x1] =	stream.indirect.gather [hbm4b:s3+s15], $0x20, s4, s15, $0xb8;
	[tilespmem:$0x16800] =	vst v63  }
0x41: {  	s29 =	simm.s32 $0xB00  }
0x42: {  	[tilespmem:s17], [sflag:$0x1] =	stream.indirect.gather [hbm4b:s3+s15], $0x20, s29, s15, $0xb8;
	[tilespmem:$0x16800] =	vst v63  }
0x43: {  	s4 =	simm.s32 $0xC00  }
0x44: {  	[tilespmem:s19], [sflag:$0x1] =	stream.indirect.gather [hbm4b:s3+s15], $0x20, s4, s15, $0xb8;
	[tilespmem:$0x16800] =	vst v63  }
0x45: {  	s29 =	simm.s32 $0xD00  }
0x46: {  	[tilespmem:s21], [sflag:$0x1] =	stream.indirect.gather [hbm4b:s3+s15], $0x20, s29, s15, $0xb8;
	[tilespmem:$0x16800] =	vst v63  }
0x47: {  	s4 =	simm.s32 $0xE00  }
0x48: {  	[tilespmem:s23], [sflag:$0x1] =	stream.indirect.gather [hbm4b:s3+s15], $0x20, s4, s15, $0xb8;
	[tilespmem:$0x16800] =	vst v63  }
0x49: {  	_ =	swait.ge [sflag:s24], $0xA000  }
0x4a: {  	[sflag:s24] =	ssyncset.done $0x0  }
0x4b: {  	[sflag:s24] =	ssyncadd.s32 $0xFFFF6000  }
0x4c: {  	[hbm4b:s7+s2] =	stream.linear.scatter [tilespmem:s25], [sflag:$0x4], $0xA000, $0x38;
	[tilespmem:$0x16800] =	vst v63  }
0x4d: {  	_ =	swait.ge [sflag:s26], $0xA000  }
0x4e: {  	[sflag:s26] =	ssyncset.done $0x0  }
0x4f: {  	s29 =	simm.s32 $0xF00;
	[sflag:s26] =	ssyncadd.s32 $0xFFFF6000  }
0x50: {  	[tilespmem:s25], [sflag:$0x2] =	stream.indirect.gather [hbm4b:s3+s15], $0x20, s29, s15, $0xb8;
	[tilespmem:$0x16800] =	vst v63  }
0x51: {  	s4 =	simm.s32 $0x1000  }
0x52: {  	[tilespmem:s28], [sflag:$0x2] =	stream.indirect.gather [hbm4b:s3+s15], $0x20, s4, s15, $0xb8;
	[tilespmem:$0x16800] =	vst v63  }
0x53: {  	s29 =	simm.s32 $0x1100  }
0x54: {  	[tilespmem:s30], [sflag:$0x2] =	stream.indirect.gather [hbm4b:s3+s15], $0x20, s29, s15, $0xb8;
	[tilespmem:$0x16800] =	vst v63  }
0x55: {  	s4 =	simm.s32 $0x1200  }
0x56: {  	[tilespmem:s1], [sflag:$0x2] =	stream.indirect.gather [hbm4b:s3+s15], $0x20, s4, s15, $0xb8;
	[tilespmem:$0x16800] =	vst v63  }
0x57: {  	s29 =	simm.s32 $0x1300  }
0x58: {  	[tilespmem:s18], [sflag:$0x2] =	stream.indirect.gather [hbm4b:s3+s15], $0x20, s29, s15, $0xb8;
	[tilespmem:$0x16800] =	vst v63  }
0x59: {  	_ =	swait.ge [sflag:s20], $0xA000  }
0x5a: {  	[sflag:s20] =	ssyncset.done $0x0  }
0x5b: {  	[sflag:s20] =	ssyncadd.s32 $0xFFFF6000  }
0x5c: {  	[hbm4b:s8+s2] =	stream.linear.scatter [tilespmem:s16], [sflag:$0x3], $0xA000, $0x38;
	[tilespmem:$0x16800] =	vst v63  }
0x5d: {  	_ =	swait.ge [sflag:s22], $0xA000  }
0x5e: {  	[sflag:s22] =	ssyncset.done $0x0  }
0x5f: {  	s4 =	simm.s32 $0x1400;
	[sflag:s22] =	ssyncadd.s32 $0xFFFF6000  }
0x60: {  	[tilespmem:s16], [sflag:$0x1] =	stream.indirect.gather [hbm4b:s3+s15], $0x20, s4, s15, $0xb8;
	[tilespmem:$0x16800] =	vst v63  }
0x61: {  	s29 =	simm.s32 $0x1500  }
0x62: {  	[tilespmem:s17], [sflag:$0x1] =	stream.indirect.gather [hbm4b:s3+s15], $0x20, s29, s15, $0xb8;
	[tilespmem:$0x16800] =	vst v63  }
0x63: {  	s4 =	simm.s32 $0x1600  }
0x64: {  	[tilespmem:s19], [sflag:$0x1] =	stream.indirect.gather [hbm4b:s3+s15], $0x20, s4, s15, $0xb8;
	[tilespmem:$0x16800] =	vst v63  }
0x65: {  	s29 =	simm.s32 $0x1700  }
0x66: {  	[tilespmem:s21], [sflag:$0x1] =	stream.indirect.gather [hbm4b:s3+s15], $0x20, s29, s15, $0xb8;
	[tilespmem:$0x16800] =	vst v63  }
0x67: {  	s4 =	simm.s32 $0x1800  }
0x68: {  	[tilespmem:s23], [sflag:$0x1] =	stream.indirect.gather [hbm4b:s3+s15], $0x20, s4, s15, $0xb8;
	[tilespmem:$0x16800] =	vst v63  }
0x69: {  	_ =	swait.ge [sflag:s24], $0xA000  }
0x6a: {  	[sflag:s24] =	ssyncset.done $0x0  }
0x6b: {  	[sflag:s24] =	ssyncadd.s32 $0xFFFF6000  }
0x6c: {  	[hbm4b:s9+s2] =	stream.linear.scatter [tilespmem:s25], [sflag:$0x4], $0xA000, $0x38;
	[tilespmem:$0x16800] =	vst v63  }
0x6d: {  	_ =	swait.ge [sflag:s26], $0xA000  }
0x6e: {  	[sflag:s26] =	ssyncset.done $0x0  }
0x6f: {  	s29 =	simm.s32 $0x1900;
	[sflag:s26] =	ssyncadd.s32 $0xFFFF6000  }
0x70: {  	[tilespmem:s25], [sflag:$0x2] =	stream.indirect.gather [hbm4b:s3+s15], $0x20, s29, s15, $0xb8;
	[tilespmem:$0x16800] =	vst v63  }
0x71: {  	s4 =	simm.s32 $0x1A00  }
0x72: {  	[tilespmem:s28], [sflag:$0x2] =	stream.indirect.gather [hbm4b:s3+s15], $0x20, s4, s15, $0xb8;
	[tilespmem:$0x16800] =	vst v63  }
0x73: {  	s29 =	simm.s32 $0x1B00  }
0x74: {  	[tilespmem:s30], [sflag:$0x2] =	stream.indirect.gather [hbm4b:s3+s15], $0x20, s29, s15, $0xb8;
	[tilespmem:$0x16800] =	vst v63  }
0x75: {  	s4 =	simm.s32 $0x1C00  }
0x76: {  	[tilespmem:s1], [sflag:$0x2] =	stream.indirect.gather [hbm4b:s3+s15], $0x20, s4, s15, $0xb8;
	[tilespmem:$0x16800] =	vst v63  }
0x77: {  	s29 =	simm.s32 $0x1D00  }
0x78: {  	[tilespmem:s18], [sflag:$0x2] =	stream.indirect.gather [hbm4b:s3+s15], $0x20, s29, s15, $0xb8;
	[tilespmem:$0x16800] =	vst v63  }
0x79: {  	_ =	swait.ge [sflag:s20], $0xA000  }
0x7a: {  	[sflag:s20] =	ssyncset.done $0x0  }
0x7b: {  	[sflag:s20] =	ssyncadd.s32 $0xFFFF6000  }
0x7c: {  	[hbm4b:s10+s2] =	stream.linear.scatter [tilespmem:s16], [sflag:$0x3], $0xA000, $0x38;
	[tilespmem:$0x16800] =	vst v63  }
0x7d: {  	_ =	swait.ge [sflag:s22], $0xA000  }
0x7e: {  	[sflag:s22] =	ssyncset.done $0x0  }
0x7f: {  	s4 =	simm.s32 $0x1E00;
	[sflag:s22] =	ssyncadd.s32 $0xFFFF6000  }
0x80: {  	[tilespmem:s16], [sflag:$0x1] =	stream.indirect.gather [hbm4b:s3+s15], $0x20, s4, s15, $0xb8;
	[tilespmem:$0x16800] =	vst v63  }
0x81: {  	s29 =	simm.s32 $0x1F00  }
0x82: {  	[tilespmem:s17], [sflag:$0x1] =	stream.indirect.gather [hbm4b:s3+s15], $0x20, s29, s15, $0xb8;
	[tilespmem:$0x16800] =	vst v63  }
0x83: {  	s4 =	simm.s32 $0x2000  }
0x84: {  	[tilespmem:s19], [sflag:$0x1] =	stream.indirect.gather [hbm4b:s3+s15], $0x20, s4, s15, $0xb8;
	[tilespmem:$0x16800] =	vst v63  }
0x85: {  	s29 =	simm.s32 $0x2100  }
0x86: {  	[tilespmem:s21], [sflag:$0x1] =	stream.indirect.gather [hbm4b:s3+s15], $0x20, s29, s15, $0xb8;
	[tilespmem:$0x16800] =	vst v63  }
0x87: {  	s4 =	simm.s32 $0x2200  }
0x88: {  	[tilespmem:s23], [sflag:$0x1] =	stream.indirect.gather [hbm4b:s3+s15], $0x20, s4, s15, $0xb8;
	[tilespmem:$0x16800] =	vst v63  }
0x89: {  	_ =	swait.ge [sflag:s24], $0xA000  }
0x8a: {  	[sflag:s24] =	ssyncset.done $0x0  }
0x8b: {  	[sflag:s24] =	ssyncadd.s32 $0xFFFF6000  }
0x8c: {  	[hbm4b:s11+s2] =	stream.linear.scatter [tilespmem:s25], [sflag:$0x4], $0xA000, $0x38;
	[tilespmem:$0x16800] =	vst v63  }
0x8d: {  	_ =	swait.ge [sflag:s26], $0xA000  }
0x8e: {  	[sflag:s26] =	ssyncset.done $0x0  }
0x8f: {  	s29 =	simm.s32 $0x2300;
	[sflag:s26] =	ssyncadd.s32 $0xFFFF6000  }
0x90: {  	[tilespmem:s25], [sflag:$0x2] =	stream.indirect.gather [hbm4b:s3+s15], $0x20, s29, s15, $0xb8;
	[tilespmem:$0x16800] =	vst v63  }
0x91: {  	s4 =	simm.s32 $0x2400  }
0x92: {  	[tilespmem:s28], [sflag:$0x2] =	stream.indirect.gather [hbm4b:s3+s15], $0x20, s4, s15, $0xb8;
	[tilespmem:$0x16800] =	vst v63  }
0x93: {  	s29 =	simm.s32 $0x2500  }
0x94: {  	[tilespmem:s30], [sflag:$0x2] =	stream.indirect.gather [hbm4b:s3+s15], $0x20, s29, s15, $0xb8;
	[tilespmem:$0x16800] =	vst v63  }
0x95: {  	s4 =	simm.s32 $0x2600  }
0x96: {  	[tilespmem:s1], [sflag:$0x2] =	stream.indirect.gather [hbm4b:s3+s15], $0x20, s4, s15, $0xb8;
	[tilespmem:$0x16800] =	vst v63  }
0x97: {  	s29 =	simm.s32 $0x2700  }
0x98: {  	[tilespmem:s18], [sflag:$0x2] =	stream.indirect.gather [hbm4b:s3+s15], $0x20, s29, s15, $0xb8;
	[tilespmem:$0x16800] =	vst v63  }
0x99: {  	_ =	swait.ge [sflag:s20], $0xA000  }
0x9a: {  	[sflag:s20] =	ssyncset.done $0x0  }
0x9b: {  	[sflag:s20] =	ssyncadd.s32 $0xFFFF6000  }
0x9c: {  	[hbm4b:s12+s2] =	stream.linear.scatter [tilespmem:s16], [sflag:$0x3], $0xA000, $0x38;
	[tilespmem:$0x16800] =	vst v63  }
0x9d: {  	_ =	swait.ge [sflag:s22], $0xA000  }
0x9e: {  	[sflag:s22] =	ssyncset.done $0x0  }
0x9f: {  	[sflag:s22] =	ssyncadd.s32 $0xFFFF6000  }
0xa0: {  	s31 =	sadd.s32 $0x1, s31;
	_ =	swait.ge [sflag:s24], $0xA000  }
0xa1: {  	p0 =	sne.s32 s31, s6;
	[sflag:s24] =	ssyncset.done $0x0  }
.Ltmp1:
0xa2: {  	[sflag:s24] =	ssyncadd.s32 $0xFFFF6000;
	(pc) =	sbr.rel @p0 .LBB2_1-.Ltmp1, $4  }
0xa3: {  	[hbm4b:s13+s2] =	stream.linear.scatter [tilespmem:s25], [sflag:$0x4], $0xA000, $0x38;
	[tilespmem:$0x16800] =	vst v63  }
0xa4: {  	_ =	swait.ge [sflag:s26], $0xA000  }
0xa5: {  	[sflag:s26] =	ssyncset.done $0x0  }
0xa6: {  	[sflag:s26] =	ssyncadd.s32 $0xFFFF6000  }
0xa7: {  	_ =	sfence.sel $0x180000  }
0xa8: {  	[bflag:$0x0] =	sbarrier.arrive $0xFFFF  }
0xa9: {  	_ =	strace $0x90000047  }
0xaa: {  	s0 =	stileid.u32;
	[bflag:$0x2] =	sbarrier.arrive $0xFFFF  }
0xab: {  	p0 =	sne.s32 s0, $0x0;
	s0 =	rddreg [dreg:$0x3]  }
0xac: {  	s0 =	sadd.s32 @!p0 $0x100000, s0  }
0xad: {  	[sflag:s0] =	ssyncadd.tile.s32 @!p0 $0x1;
	_ =	shalt  }
.Lfunc_end2:
_tile_overlayer_lowered:
.L_overlay_start_2:
0xae: {  	(tag) =	ssettag $0x2  }
0xaf: {  	s0 =	rddreg [dreg:$0x0];
	s2 =	stileid.u32  }
0xb0: {  	s1 =	rddreg [dreg:$0x1];
	p0 =	sne.s32 s2, $0x0  }
0xb1: {  	s3 =	rddreg [dreg:$0x2];
	[bflag:$0x3] =	sbarrier.arrive $0xFFFF;
	s2 =	simm.s32 @!p0 $0x1C05  }
0xb2: {  	[timem:s3], [sflag:s2] =	dma.local @!p0 [hbm:s0], s1  }
0xb3: {  	s0 =	simm.s32 @!p0 $0x5  }
0xb4: {  	_ =	swait.ge @!p0 [sflag:s0], s1  }
0xb5: {  	s1 =	ssub.s32 @!p0 $0x0, s1;
	[sflag:s0] =	ssyncset.done @!p0 $0x0  }
0xb6: {  	[sflag:s0] =	ssyncadd.s32 @!p0 s1  }
0xb7: {  	[bflag:$0x3] =	sbarrier.arrive $0xFFFF  }
0xb8: {  	_ =	shalt  }

</sc_bundles>
